<compile_context>
chip_gen: v7x
topology: tpu7x:2x2x1
jax: 0.10.2.dev20260603
libtpu: 0.0.44.dev20260713+nightly
codegen_flags: <defaults>
</compile_context>

<pallas_src>
import functools

import jax
import jax.numpy as jnp
from jax import lax
from jax.experimental import pallas as pl
from jax.experimental.pallas import tpu as pltpu
from jax.experimental.pallas import tpu_sc as plsc

N_NODES = 10000
N_EDGES = 320000
D = 128

NC = 2
NS = 16
NW = NC * NS
C = 128
G = 79
E_PAD = NW * G * C
ROWS_PER_TILE = 640
N_PAD = NS * ROWS_PER_TILE


def _agg_body(x_hbm, srcs_hbm, dsts_hbm, out_hbm,
              src_v, dst_v, rows_v, accum, gsem, ssem):
  cid = lax.axis_index("c")
  sid = lax.axis_index("s")
  wid = sid * NC + cid

  zeros16 = jnp.zeros((16,), jnp.float32)

  def _zrow(i, _):
    for k in range(8):
      rows_v[i, pl.ds(k * 16, 16)] = zeros16
    return 0

  lax.fori_loop(0, 128, _zrow, 0)
  for t in range(ROWS_PER_TILE // 128):
    pltpu.sync_copy(rows_v, accum.at[pl.ds(sid * ROWS_PER_TILE + t * 128, 128)])
  plsc.subcore_barrier()

  pltpu.sync_copy(srcs_hbm.at[wid], src_v)
  pltpu.sync_copy(dsts_hbm.at[wid], dst_v)

  def _chunk(j, _):
    pltpu.async_copy(x_hbm.at[src_v.at[j]], rows_v, gsem).wait()
    pltpu.async_copy(rows_v, accum.at[dst_v.at[j]], ssem, add=True).wait()
    return 0

  lax.fori_loop(0, G, _chunk, 0)
  plsc.subcore_barrier()

  for t in range(ROWS_PER_TILE // 128):
    base = sid * ROWS_PER_TILE + t * 128
    pltpu.sync_copy(accum.at[pl.ds(base, 128)], out_hbm.at[cid, pl.ds(base, 128)])


_agg = pl.kernel(
    _agg_body,
    out_type=jax.ShapeDtypeStruct((NC, N_PAD, D), jnp.float32),
    mesh=plsc.VectorSubcoreMesh(core_axis_name="c", subcore_axis_name="s"),
    scratch_types=[
        pltpu.VMEM((G, C), jnp.int32),
        pltpu.VMEM((G, C), jnp.int32),
        pltpu.VMEM((C, D), jnp.float32),
        pltpu.VMEM_SHARED((N_PAD, D), jnp.float32),
        pltpu.SemaphoreType.DMA,
        pltpu.SemaphoreType.DMA,
    ],
)


def _mlp_body(x_ref, p0_ref, p1_ref, w1_ref, b1_ref, w2_ref, b2_ref, o_ref):
  h = x_ref[...] + p0_ref[0] + p1_ref[0]
  h = jnp.dot(h, w1_ref[...], preferred_element_type=jnp.float32) + b1_ref[...]
  h = jnp.maximum(h, 0.0)
  o_ref[...] = (
      jnp.dot(h, w2_ref[...], preferred_element_type=jnp.float32) + b2_ref[...]
  )


def _mlp(x, partials, w1t, b1, w2t, b2):
  R = 2000
  grid = (N_NODES // R,)
  return pl.pallas_call(
      _mlp_body,
      grid=grid,
      in_specs=[
          pl.BlockSpec((R, D), lambda i: (i, 0)),
          pl.BlockSpec((1, R, D), lambda i: (0, i, 0)),
          pl.BlockSpec((1, R, D), lambda i: (1, i, 0)),
          pl.BlockSpec((D, D), lambda i: (0, 0)),
          pl.BlockSpec((1, D), lambda i: (0, 0)),
          pl.BlockSpec((D, D), lambda i: (0, 0)),
          pl.BlockSpec((1, D), lambda i: (0, 0)),
      ],
      out_specs=pl.BlockSpec((R, D), lambda i: (i, 0)),
      out_shape=jax.ShapeDtypeStruct((N_NODES, D), jnp.float32),
  )(x, partials, partials, w1t, b1, w2t, b2)


@jax.jit
def kernel(x, edge_index, W1, b1, W2, b2):
  src = edge_index[0].astype(jnp.int32)
  dst = edge_index[1].astype(jnp.int32)
  pad = E_PAD - N_EDGES
  src = jnp.concatenate([src, jnp.zeros((pad,), jnp.int32)])
  dst = jnp.concatenate([dst, jnp.full((pad,), N_NODES, jnp.int32)])
  srcs = src.reshape(NW, G, C)
  dsts = dst.reshape(NW, G, C)

  partials = _agg(x, srcs, dsts)

  return _mlp(x, partials, W1.T, b1.reshape(1, D), W2.T, b2.reshape(1, D))

# --- scband reference (transcript-rebuilt; emitter-appended) ---
"""Pipeline reference for scband-gin-16484084483578 (READ-ONLY COPY).

The authoritative reference and input builder live on the scoring server;
editing this copy changes nothing except your own understanding.
"""

import jax, jax.numpy as jnp
import numpy as np

N_NODES = 10000
N_EDGES = 320000
D_IN = 128
D_OUT = 128

def setup_inputs(seed: int = 0) -> dict:
    key = jax.random.key(seed)
    k_x, k_ei, k_w1, k_b1, k_w2, k_b2 = jax.random.split(key, 6)
    x = jax.random.normal(k_x, (N_NODES, D_IN), dtype=jnp.float32)
    edge_index = jax.random.randint(k_ei, (2, N_EDGES), 0, N_NODES, dtype=jnp.int64)
    # Linear layer params (kaiming-uniform-like init, torch Linear convention W: [out, in])
    bound1 = float(np.sqrt(6.0 / D_IN))
    W1 = jax.random.uniform(k_w1, (D_OUT, D_IN), dtype=jnp.float32, minval=-bound1, maxval=bound1)
    b1 = jax.random.uniform(k_b1, (D_OUT,), dtype=jnp.float32, minval=-1.0/np.sqrt(D_IN), maxval=1.0/np.sqrt(D_IN))
    bound2 = float(np.sqrt(6.0 / D_OUT))
    W2 = jax.random.uniform(k_w2, (D_OUT, D_OUT), dtype=jnp.float32, minval=-bound2, maxval=bound2)
    b2 = jax.random.uniform(k_b2, (D_OUT,), dtype=jnp.float32, minval=-1.0/np.sqrt(D_OUT), maxval=1.0/np.sqrt(D_OUT))
    return {"x": x, "edge_index": edge_index, "W1": W1, "b1": b1, "W2": W2, "b2": b2}

def reference(x, edge_index, W1, b1, W2, b2):
    # GINConv with eps=0: h = (1 + eps) * x + sum_{j in N(i)} x_j
    src = edge_index[0]
    dst = edge_index[1]
    messages = jnp.take(x, src, axis=0)               # gather: [E, D]
    aggr = jax.ops.segment_sum(messages, dst, num_segments=N_NODES)  # scatter-add
    h = x + aggr                                      # (1 + 0) * x + aggr
    # MLP: Linear -> ReLU -> Linear
    h = h @ W1.T + b1
    h = jax.nn.relu(h)
    h = h @ W2.T + b2
    return h

if __name__ == "__main__":
    import jax
    _d = setup_inputs()
    print(jax.jit(kernel)(*tuple(_d.values())))

</pallas_src>

<mosaic_0001>
#map = affine_map<(d0, d1) -> (0, 0)>
#map1 = affine_map<(d0, d1) -> (0, 0, 0)>
module attributes {stable_mosaic.version = 14 : i64} {
  func.func @_agg_body(%arg0: i32, %arg1: i32, %arg2: memref<10000x128xf32, #tpu.memory_space<hbm>>, %arg3: memref<32x79x128xi32, #tpu.memory_space<hbm>>, %arg4: memref<32x79x128xi32, #tpu.memory_space<hbm>>, %arg5: memref<2x10240x128xf32, #tpu.memory_space<hbm>>, %arg6: memref<79x128xi32, #tpu.memory_space<vmem>>, %arg7: memref<79x128xi32, #tpu.memory_space<vmem>>, %arg8: memref<128x128xf32, #tpu.memory_space<vmem>>, %arg9: memref<10240x128xf32, #tpu.memory_space<vmem_shared>>, %arg10: memref<!tpu.dma_semaphore, #tpu.memory_space<semaphore_mem>>, %arg11: memref<!tpu.dma_semaphore, #tpu.memory_space<semaphore_mem>>) attributes {dimension_semantics = [#tpu.dimension_semantics<core_parallel>, #tpu.dimension_semantics<subcore_parallel>], iteration_bounds = array<i64: 2, 16>, scalar_prefetch = 0 : i64, scratch_operands = 6 : i64, tpu.core_type = #tpu.core_type<sc_vector_subcore>, window_params = [{transform_indices = #map}, {transform_indices = #map1}, {transform_indices = #map1}, {transform_indices = #map1}]} {
    %mul3A = arith.constant 2 : i32
    %mul3A_0 = arith.muli %arg1, %mul3A : i32
    %add3A = arith.addi %mul3A_0, %arg0 : i32
    %broadcast_in_dim3A = arith.constant 0.000000e+00 : f32
    %broadcast_in_dim3A_1 = vector.broadcast %broadcast_in_dim3A : f32 to vector<16xf32>
    %scan3A = arith.constant 0 : i32
    %scan3A_2 = arith.constant 0 : i32
    %scan3A_3 = arith.constant 128 : i32
    %scan3A_4 = arith.addi %scan3A_2, %scan3A_3 : i32
    %scan3A_5 = arith.constant 1 : i32
    %scan3A_6 = scf.for %scan3A_56 = %scan3A_2 to %scan3A_4 step %scan3A_5 iter_args(%scan3A_57 = %scan3A) -> (i32)  : i32 {
      %swap3A = arith.index_cast %scan3A_56 : i32 to index
      %swap3A_58 = arith.constant 0 : index
      %swap3A_59 = tpu.vector_load %arg8[%swap3A, %swap3A_58] {strides = array<i32>} : memref<128x128xf32, #tpu.memory_space<vmem>>, vector<1x16xf32>,
      %swap3A_60 = vector.shape_cast %swap3A_59 : vector<1x16xf32> to vector<16xf32>
      %swap3A_61 = vector.shape_cast %broadcast_in_dim3A_1 : vector<16xf32> to vector<1x16xf32>
      tpu.vector_store %arg8[%swap3A, %swap3A_58], %swap3A_61 {strides = array<i32>} : memref<128x128xf32, #tpu.memory_space<vmem>>, vector<1x16xf32>,
      %swap3A_62 = arith.index_cast %scan3A_56 : i32 to index
      %swap3A_63 = arith.constant 16 : index
      %swap3A_64 = tpu.vector_load %arg8[%swap3A_62, %swap3A_63] {strides = array<i32>} : memref<128x128xf32, #tpu.memory_space<vmem>>, vector<1x16xf32>,
      %swap3A_65 = vector.shape_cast %swap3A_64 : vector<1x16xf32> to vector<16xf32>
      %swap3A_66 = vector.shape_cast %broadcast_in_dim3A_1 : vector<16xf32> to vector<1x16xf32>
      tpu.vector_store %arg8[%swap3A_62, %swap3A_63], %swap3A_66 {strides = array<i32>} : memref<128x128xf32, #tpu.memory_space<vmem>>, vector<1x16xf32>,
      %swap3A_67 = arith.index_cast %scan3A_56 : i32 to index
      %swap3A_68 = arith.constant 32 : index
      %swap3A_69 = tpu.vector_load %arg8[%swap3A_67, %swap3A_68] {strides = array<i32>} : memref<128x128xf32, #tpu.memory_space<vmem>>, vector<1x16xf32>,
      %swap3A_70 = vector.shape_cast %swap3A_69 : vector<1x16xf32> to vector<16xf32>
      %swap3A_71 = vector.shape_cast %broadcast_in_dim3A_1 : vector<16xf32> to vector<1x16xf32>
      tpu.vector_store %arg8[%swap3A_67, %swap3A_68], %swap3A_71 {strides = array<i32>} : memref<128x128xf32, #tpu.memory_space<vmem>>, vector<1x16xf32>,
      %swap3A_72 = arith.index_cast %scan3A_56 : i32 to index
      %swap3A_73 = arith.constant 48 : index
      %swap3A_74 = tpu.vector_load %arg8[%swap3A_72, %swap3A_73] {strides = array<i32>} : memref<128x128xf32, #tpu.memory_space<vmem>>, vector<1x16xf32>,
      %swap3A_75 = vector.shape_cast %swap3A_74 : vector<1x16xf32> to vector<16xf32>
      %swap3A_76 = vector.shape_cast %broadcast_in_dim3A_1 : vector<16xf32> to vector<1x16xf32>
      tpu.vector_store %arg8[%swap3A_72, %swap3A_73], %swap3A_76 {strides = array<i32>} : memref<128x128xf32, #tpu.memory_space<vmem>>, vector<1x16xf32>,
      %swap3A_77 = arith.index_cast %scan3A_56 : i32 to index
      %swap3A_78 = arith.constant 64 : index
      %swap3A_79 = tpu.vector_load %arg8[%swap3A_77, %swap3A_78] {strides = array<i32>} : memref<128x128xf32, #tpu.memory_space<vmem>>, vector<1x16xf32>,
      %swap3A_80 = vector.shape_cast %swap3A_79 : vector<1x16xf32> to vector<16xf32>
      %swap3A_81 = vector.shape_cast %broadcast_in_dim3A_1 : vector<16xf32> to vector<1x16xf32>
      tpu.vector_store %arg8[%swap3A_77, %swap3A_78], %swap3A_81 {strides = array<i32>} : memref<128x128xf32, #tpu.memory_space<vmem>>, vector<1x16xf32>,
      %swap3A_82 = arith.index_cast %scan3A_56 : i32 to index
      %swap3A_83 = arith.constant 80 : index
      %swap3A_84 = tpu.vector_load %arg8[%swap3A_82, %swap3A_83] {strides = array<i32>} : memref<128x128xf32, #tpu.memory_space<vmem>>, vector<1x16xf32>,
      %swap3A_85 = vector.shape_cast %swap3A_84 : vector<1x16xf32> to vector<16xf32>
      %swap3A_86 = vector.shape_cast %broadcast_in_dim3A_1 : vector<16xf32> to vector<1x16xf32>
      tpu.vector_store %arg8[%swap3A_82, %swap3A_83], %swap3A_86 {strides = array<i32>} : memref<128x128xf32, #tpu.memory_space<vmem>>, vector<1x16xf32>,
      %swap3A_87 = arith.index_cast %scan3A_56 : i32 to index
      %swap3A_88 = arith.constant 96 : index
      %swap3A_89 = tpu.vector_load %arg8[%swap3A_87, %swap3A_88] {strides = array<i32>} : memref<128x128xf32, #tpu.memory_space<vmem>>, vector<1x16xf32>,
      %swap3A_90 = vector.shape_cast %swap3A_89 : vector<1x16xf32> to vector<16xf32>
      %swap3A_91 = vector.shape_cast %broadcast_in_dim3A_1 : vector<16xf32> to vector<1x16xf32>
      tpu.vector_store %arg8[%swap3A_87, %swap3A_88], %swap3A_91 {strides = array<i32>} : memref<128x128xf32, #tpu.memory_space<vmem>>, vector<1x16xf32>,
      %swap3A_92 = arith.index_cast %scan3A_56 : i32 to index
      %swap3A_93 = arith.constant 112 : index
      %swap3A_94 = tpu.vector_load %arg8[%swap3A_92, %swap3A_93] {strides = array<i32>} : memref<128x128xf32, #tpu.memory_space<vmem>>, vector<1x16xf32>,
      %swap3A_95 = vector.shape_cast %swap3A_94 : vector<1x16xf32> to vector<16xf32>
      %swap3A_96 = vector.shape_cast %broadcast_in_dim3A_1 : vector<16xf32> to vector<1x16xf32>
      tpu.vector_store %arg8[%swap3A_92, %swap3A_93], %swap3A_96 {strides = array<i32>} : memref<128x128xf32, #tpu.memory_space<vmem>>, vector<1x16xf32>,
      %scan3A_97 = arith.constant 0 : i32
      scf.yield %scan3A_97 : i32
    }
    %scan3A_7 = arith.constant 128 : i32
    %mul3A_8 = arith.constant 640 : i32
    %mul3A_9 = arith.muli %arg1, %mul3A_8 : i32
    %add3A_10 = arith.constant 0 : i32
    %add3A_11 = arith.addi %mul3A_9, %add3A_10 : i32
    "tpu.region"() ({
      %run_scoped3A = tpu.sem_alloc : memref<!tpu.dma_semaphore, #tpu.memory_space<semaphore_mem>>
      %dma_start3A = arith.constant 0 : i32
      %dma_start3A_56 = tpu.memref_slice %arg9[%add3A_11, %dma_start3A] : memref<10240x128xf32, #tpu.memory_space<vmem_shared>> -> memref<128x128xf32, #tpu.memory_space<vmem_shared>>
      %dma_start3A_57 = arith.constant 0 : i32
      %dma_start3A_58 = tpu.memref_slice %arg9[%add3A_11, %dma_start3A_57] : memref<10240x128xf32, #tpu.memory_space<vmem_shared>> -> memref<128x128xf32, #tpu.memory_space<vmem_shared>>
      tpu.enqueue_dma source(%arg8 : memref<128x128xf32, #tpu.memory_space<vmem>>) target(%dma_start3A_58 : memref<128x128xf32, #tpu.memory_space<vmem_shared>>) target_semaphore(%run_scoped3A : memref<!tpu.dma_semaphore, #tpu.memory_space<semaphore_mem>>)
      %dma_wait3A = arith.constant 0 : i32
      %dma_wait3A_59 = tpu.memref_slice %arg9[%add3A_11, %dma_wait3A] : memref<10240x128xf32, #tpu.memory_space<vmem_shared>> -> memref<128x128xf32, #tpu.memory_space<vmem_shared>>
      %dma_wait3A_60 = arith.constant 0 : i32
      %dma_wait3A_61 = tpu.memref_slice %arg9[%add3A_11, %dma_wait3A_60] : memref<10240x128xf32, #tpu.memory_space<vmem_shared>> -> memref<128x128xf32, #tpu.memory_space<vmem_shared>>
      tpu.wait_dma2 semaphore(%run_scoped3A : memref<!tpu.dma_semaphore, #tpu.memory_space<semaphore_mem>>) src(%arg8 : memref<128x128xf32, #tpu.memory_space<vmem>>) dst(%dma_wait3A_61 : memref<128x128xf32, #tpu.memory_space<vmem_shared>>)
      tpu.yield
    }) : () -> ()
    %mul3A_12 = arith.constant 640 : i32
    %mul3A_13 = arith.muli %arg1, %mul3A_12 : i32
    %add3A_14 = arith.constant 128 : i32
    %add3A_15 = arith.addi %mul3A_13, %add3A_14 : i32
    "tpu.region"() ({
      %run_scoped3A = tpu.sem_alloc : memref<!tpu.dma_semaphore, #tpu.memory_space<semaphore_mem>>
      %dma_start3A = arith.constant 0 : i32
      %dma_start3A_56 = tpu.memref_slice %arg9[%add3A_15, %dma_start3A] : memref<10240x128xf32, #tpu.memory_space<vmem_shared>> -> memref<128x128xf32, #tpu.memory_space<vmem_shared>>
      %dma_start3A_57 = arith.constant 0 : i32
      %dma_start3A_58 = tpu.memref_slice %arg9[%add3A_15, %dma_start3A_57] : memref<10240x128xf32, #tpu.memory_space<vmem_shared>> -> memref<128x128xf32, #tpu.memory_space<vmem_shared>>
      tpu.enqueue_dma source(%arg8 : memref<128x128xf32, #tpu.memory_space<vmem>>) target(%dma_start3A_58 : memref<128x128xf32, #tpu.memory_space<vmem_shared>>) target_semaphore(%run_scoped3A : memref<!tpu.dma_semaphore, #tpu.memory_space<semaphore_mem>>)
      %dma_wait3A = arith.constant 0 : i32
      %dma_wait3A_59 = tpu.memref_slice %arg9[%add3A_15, %dma_wait3A] : memref<10240x128xf32, #tpu.memory_space<vmem_shared>> -> memref<128x128xf32, #tpu.memory_space<vmem_shared>>
      %dma_wait3A_60 = arith.constant 0 : i32
      %dma_wait3A_61 = tpu.memref_slice %arg9[%add3A_15, %dma_wait3A_60] : memref<10240x128xf32, #tpu.memory_space<vmem_shared>> -> memref<128x128xf32, #tpu.memory_space<vmem_shared>>
      tpu.wait_dma2 semaphore(%run_scoped3A : memref<!tpu.dma_semaphore, #tpu.memory_space<semaphore_mem>>) src(%arg8 : memref<128x128xf32, #tpu.memory_space<vmem>>) dst(%dma_wait3A_61 : memref<128x128xf32, #tpu.memory_space<vmem_shared>>)
      tpu.yield
    }) : () -> ()
    %mul3A_16 = arith.constant 640 : i32
    %mul3A_17 = arith.muli %arg1, %mul3A_16 : i32
    %add3A_18 = arith.constant 256 : i32
    %add3A_19 = arith.addi %mul3A_17, %add3A_18 : i32
    "tpu.region"() ({
      %run_scoped3A = tpu.sem_alloc : memref<!tpu.dma_semaphore, #tpu.memory_space<semaphore_mem>>
      %dma_start3A = arith.constant 0 : i32
      %dma_start3A_56 = tpu.memref_slice %arg9[%add3A_19, %dma_start3A] : memref<10240x128xf32, #tpu.memory_space<vmem_shared>> -> memref<128x128xf32, #tpu.memory_space<vmem_shared>>
      %dma_start3A_57 = arith.constant 0 : i32
      %dma_start3A_58 = tpu.memref_slice %arg9[%add3A_19, %dma_start3A_57] : memref<10240x128xf32, #tpu.memory_space<vmem_shared>> -> memref<128x128xf32, #tpu.memory_space<vmem_shared>>
      tpu.enqueue_dma source(%arg8 : memref<128x128xf32, #tpu.memory_space<vmem>>) target(%dma_start3A_58 : memref<128x128xf32, #tpu.memory_space<vmem_shared>>) target_semaphore(%run_scoped3A : memref<!tpu.dma_semaphore, #tpu.memory_space<semaphore_mem>>)
      %dma_wait3A = arith.constant 0 : i32
      %dma_wait3A_59 = tpu.memref_slice %arg9[%add3A_19, %dma_wait3A] : memref<10240x128xf32, #tpu.memory_space<vmem_shared>> -> memref<128x128xf32, #tpu.memory_space<vmem_shared>>
      %dma_wait3A_60 = arith.constant 0 : i32
      %dma_wait3A_61 = tpu.memref_slice %arg9[%add3A_19, %dma_wait3A_60] : memref<10240x128xf32, #tpu.memory_space<vmem_shared>> -> memref<128x128xf32, #tpu.memory_space<vmem_shared>>
      tpu.wait_dma2 semaphore(%run_scoped3A : memref<!tpu.dma_semaphore, #tpu.memory_space<semaphore_mem>>) src(%arg8 : memref<128x128xf32, #tpu.memory_space<vmem>>) dst(%dma_wait3A_61 : memref<128x128xf32, #tpu.memory_space<vmem_shared>>)
      tpu.yield
    }) : () -> ()
    %mul3A_20 = arith.constant 640 : i32
    %mul3A_21 = arith.muli %arg1, %mul3A_20 : i32
    %add3A_22 = arith.constant 384 : i32
    %add3A_23 = arith.addi %mul3A_21, %add3A_22 : i32
    "tpu.region"() ({
      %run_scoped3A = tpu.sem_alloc : memref<!tpu.dma_semaphore, #tpu.memory_space<semaphore_mem>>
      %dma_start3A = arith.constant 0 : i32
      %dma_start3A_56 = tpu.memref_slice %arg9[%add3A_23, %dma_start3A] : memref<10240x128xf32, #tpu.memory_space<vmem_shared>> -> memref<128x128xf32, #tpu.memory_space<vmem_shared>>
      %dma_start3A_57 = arith.constant 0 : i32
      %dma_start3A_58 = tpu.memref_slice %arg9[%add3A_23, %dma_start3A_57] : memref<10240x128xf32, #tpu.memory_space<vmem_shared>> -> memref<128x128xf32, #tpu.memory_space<vmem_shared>>
      tpu.enqueue_dma source(%arg8 : memref<128x128xf32, #tpu.memory_space<vmem>>) target(%dma_start3A_58 : memref<128x128xf32, #tpu.memory_space<vmem_shared>>) target_semaphore(%run_scoped3A : memref<!tpu.dma_semaphore, #tpu.memory_space<semaphore_mem>>)
      %dma_wait3A = arith.constant 0 : i32
      %dma_wait3A_59 = tpu.memref_slice %arg9[%add3A_23, %dma_wait3A] : memref<10240x128xf32, #tpu.memory_space<vmem_shared>> -> memref<128x128xf32, #tpu.memory_space<vmem_shared>>
      %dma_wait3A_60 = arith.constant 0 : i32
      %dma_wait3A_61 = tpu.memref_slice %arg9[%add3A_23, %dma_wait3A_60] : memref<10240x128xf32, #tpu.memory_space<vmem_shared>> -> memref<128x128xf32, #tpu.memory_space<vmem_shared>>
      tpu.wait_dma2 semaphore(%run_scoped3A : memref<!tpu.dma_semaphore, #tpu.memory_space<semaphore_mem>>) src(%arg8 : memref<128x128xf32, #tpu.memory_space<vmem>>) dst(%dma_wait3A_61 : memref<128x128xf32, #tpu.memory_space<vmem_shared>>)
      tpu.yield
    }) : () -> ()
    %mul3A_24 = arith.constant 640 : i32
    %mul3A_25 = arith.muli %arg1, %mul3A_24 : i32
    %add3A_26 = arith.constant 512 : i32
    %add3A_27 = arith.addi %mul3A_25, %add3A_26 : i32
    "tpu.region"() ({
      %run_scoped3A = tpu.sem_alloc : memref<!tpu.dma_semaphore, #tpu.memory_space<semaphore_mem>>
      %dma_start3A = arith.constant 0 : i32
      %dma_start3A_56 = tpu.memref_slice %arg9[%add3A_27, %dma_start3A] : memref<10240x128xf32, #tpu.memory_space<vmem_shared>> -> memref<128x128xf32, #tpu.memory_space<vmem_shared>>
      %dma_start3A_57 = arith.constant 0 : i32
      %dma_start3A_58 = tpu.memref_slice %arg9[%add3A_27, %dma_start3A_57] : memref<10240x128xf32, #tpu.memory_space<vmem_shared>> -> memref<128x128xf32, #tpu.memory_space<vmem_shared>>
      tpu.enqueue_dma source(%arg8 : memref<128x128xf32, #tpu.memory_space<vmem>>) target(%dma_start3A_58 : memref<128x128xf32, #tpu.memory_space<vmem_shared>>) target_semaphore(%run_scoped3A : memref<!tpu.dma_semaphore, #tpu.memory_space<semaphore_mem>>)
      %dma_wait3A = arith.constant 0 : i32
      %dma_wait3A_59 = tpu.memref_slice %arg9[%add3A_27, %dma_wait3A] : memref<10240x128xf32, #tpu.memory_space<vmem_shared>> -> memref<128x128xf32, #tpu.memory_space<vmem_shared>>
      %dma_wait3A_60 = arith.constant 0 : i32
      %dma_wait3A_61 = tpu.memref_slice %arg9[%add3A_27, %dma_wait3A_60] : memref<10240x128xf32, #tpu.memory_space<vmem_shared>> -> memref<128x128xf32, #tpu.memory_space<vmem_shared>>
      tpu.wait_dma2 semaphore(%run_scoped3A : memref<!tpu.dma_semaphore, #tpu.memory_space<semaphore_mem>>) src(%arg8 : memref<128x128xf32, #tpu.memory_space<vmem>>) dst(%dma_wait3A_61 : memref<128x128xf32, #tpu.memory_space<vmem_shared>>)
      tpu.yield
    }) : () -> ()
    %barrier3A = arith.constant 0 : index
    tpu.barrier barrier_id(%barrier3A)
    "tpu.region"() ({
      %run_scoped3A = tpu.sem_alloc : memref<!tpu.dma_semaphore, #tpu.memory_space<semaphore_mem>>
      %dma_start3A = arith.constant 0 : i32
      %dma_start3A_56 = arith.constant 0 : i32
      %dma_start3A_57 = tpu.memref_slice %arg3[%add3A, %dma_start3A, %dma_start3A_56] : memref<32x79x128xi32, #tpu.memory_space<hbm>> -> memref<1x79x128xi32, #tpu.memory_space<hbm>>
      %dma_start3A_58 = tpu.memref_squeeze %dma_start3A_57 : memref<1x79x128xi32, #tpu.memory_space<hbm>> -> memref<79x128xi32, #tpu.memory_space<hbm>>
      %dma_start3A_59 = arith.constant 0 : i32
      %dma_start3A_60 = arith.constant 0 : i32
      %dma_start3A_61 = tpu.memref_slice %arg3[%add3A, %dma_start3A_59, %dma_start3A_60] : memref<32x79x128xi32, #tpu.memory_space<hbm>> -> memref<1x79x128xi32, #tpu.memory_space<hbm>>
      %dma_start3A_62 = tpu.memref_squeeze %dma_start3A_61 : memref<1x79x128xi32, #tpu.memory_space<hbm>> -> memref<79x128xi32, #tpu.memory_space<hbm>>
      tpu.enqueue_dma source(%dma_start3A_62 : memref<79x128xi32, #tpu.memory_space<hbm>>) target(%arg6 : memref<79x128xi32, #tpu.memory_space<vmem>>) target_semaphore(%run_scoped3A : memref<!tpu.dma_semaphore, #tpu.memory_space<semaphore_mem>>)
      %dma_wait3A = arith.constant 0 : i32
      %dma_wait3A_63 = arith.constant 0 : i32
      %dma_wait3A_64 = tpu.memref_slice %arg3[%add3A, %dma_wait3A, %dma_wait3A_63] : memref<32x79x128xi32, #tpu.memory_space<hbm>> -> memref<1x79x128xi32, #tpu.memory_space<hbm>>
      %dma_wait3A_65 = tpu.memref_squeeze %dma_wait3A_64 : memref<1x79x128xi32, #tpu.memory_space<hbm>> -> memref<79x128xi32, #tpu.memory_space<hbm>>
      %dma_wait3A_66 = arith.constant 0 : i32
      %dma_wait3A_67 = arith.constant 0 : i32
      %dma_wait3A_68 = tpu.memref_slice %arg3[%add3A, %dma_wait3A_66, %dma_wait3A_67] : memref<32x79x128xi32, #tpu.memory_space<hbm>> -> memref<1x79x128xi32, #tpu.memory_space<hbm>>
      %dma_wait3A_69 = tpu.memref_squeeze %dma_wait3A_68 : memref<1x79x128xi32, #tpu.memory_space<hbm>> -> memref<79x128xi32, #tpu.memory_space<hbm>>
      tpu.wait_dma2 semaphore(%run_scoped3A : memref<!tpu.dma_semaphore, #tpu.memory_space<semaphore_mem>>) src(%dma_wait3A_69 : memref<79x128xi32, #tpu.memory_space<hbm>>) dst(%arg6 : memref<79x128xi32, #tpu.memory_space<vmem>>)
      tpu.yield
    }) : () -> ()
    "tpu.region"() ({
      %run_scoped3A = tpu.sem_alloc : memref<!tpu.dma_semaphore, #tpu.memory_space<semaphore_mem>>
      %dma_start3A = arith.constant 0 : i32
      %dma_start3A_56 = arith.constant 0 : i32
      %dma_start3A_57 = tpu.memref_slice %arg4[%add3A, %dma_start3A, %dma_start3A_56] : memref<32x79x128xi32, #tpu.memory_space<hbm>> -> memref<1x79x128xi32, #tpu.memory_space<hbm>>
      %dma_start3A_58 = tpu.memref_squeeze %dma_start3A_57 : memref<1x79x128xi32, #tpu.memory_space<hbm>> -> memref<79x128xi32, #tpu.memory_space<hbm>>
      %dma_start3A_59 = arith.constant 0 : i32
      %dma_start3A_60 = arith.constant 0 : i32
      %dma_start3A_61 = tpu.memref_slice %arg4[%add3A, %dma_start3A_59, %dma_start3A_60] : memref<32x79x128xi32, #tpu.memory_space<hbm>> -> memref<1x79x128xi32, #tpu.memory_space<hbm>>
      %dma_start3A_62 = tpu.memref_squeeze %dma_start3A_61 : memref<1x79x128xi32, #tpu.memory_space<hbm>> -> memref<79x128xi32, #tpu.memory_space<hbm>>
      tpu.enqueue_dma source(%dma_start3A_62 : memref<79x128xi32, #tpu.memory_space<hbm>>) target(%arg7 : memref<79x128xi32, #tpu.memory_space<vmem>>) target_semaphore(%run_scoped3A : memref<!tpu.dma_semaphore, #tpu.memory_space<semaphore_mem>>)
      %dma_wait3A = arith.constant 0 : i32
      %dma_wait3A_63 = arith.constant 0 : i32
      %dma_wait3A_64 = tpu.memref_slice %arg4[%add3A, %dma_wait3A, %dma_wait3A_63] : memref<32x79x128xi32, #tpu.memory_space<hbm>> -> memref<1x79x128xi32, #tpu.memory_space<hbm>>
      %dma_wait3A_65 = tpu.memref_squeeze %dma_wait3A_64 : memref<1x79x128xi32, #tpu.memory_space<hbm>> -> memref<79x128xi32, #tpu.memory_space<hbm>>
      %dma_wait3A_66 = arith.constant 0 : i32
      %dma_wait3A_67 = arith.constant 0 : i32
      %dma_wait3A_68 = tpu.memref_slice %arg4[%add3A, %dma_wait3A_66, %dma_wait3A_67] : memref<32x79x128xi32, #tpu.memory_space<hbm>> -> memref<1x79x128xi32, #tpu.memory_space<hbm>>
      %dma_wait3A_69 = tpu.memref_squeeze %dma_wait3A_68 : memref<1x79x128xi32, #tpu.memory_space<hbm>> -> memref<79x128xi32, #tpu.memory_space<hbm>>
      tpu.wait_dma2 semaphore(%run_scoped3A : memref<!tpu.dma_semaphore, #tpu.memory_space<semaphore_mem>>) src(%dma_wait3A_69 : memref<79x128xi32, #tpu.memory_space<hbm>>) dst(%arg7 : memref<79x128xi32, #tpu.memory_space<vmem>>)
      tpu.yield
    }) : () -> ()
    %scan3A_28 = arith.constant 0 : i32
    %scan3A_29 = arith.constant 0 : i32
    %scan3A_30 = arith.constant 79 : i32
    %scan3A_31 = arith.addi %scan3A_29, %scan3A_30 : i32
    %scan3A_32 = arith.constant 1 : i32
    %scan3A_33 = scf.for %scan3A_56 = %scan3A_29 to %scan3A_31 step %scan3A_32 iter_args(%scan3A_57 = %scan3A_28) -> (i32)  : i32 {
      %dma_start3A = arith.constant 0 : i32
      %dma_start3A_58 = tpu.memref_slice %arg6[%scan3A_56, %dma_start3A] : memref<79x128xi32, #tpu.memory_space<vmem>> -> memref<1x128xi32, #tpu.memory_space<vmem>>
      %dma_start3A_59 = tpu.memref_squeeze %dma_start3A_58 : memref<1x128xi32, #tpu.memory_space<vmem>> -> memref<128xi32, #tpu.memory_space<vmem>>
      %dma_start3A_60 = arith.constant 0 : i32
      %dma_start3A_61 = arith.constant 0 : i32
      %dma_start3A_62 = tpu.memref_slice %arg2[%dma_start3A_60, %dma_start3A_61] : memref<10000x128xf32, #tpu.memory_space<hbm>> -> memref<10000x128xf32, #tpu.memory_space<hbm>>
      tpu.enqueue_indirect_dma source(%dma_start3A_62 : memref<10000x128xf32, #tpu.memory_space<hbm>>) target(%arg8 : memref<128x128xf32, #tpu.memory_space<vmem>>) offsets(%dma_start3A_59 : memref<128xi32, #tpu.memory_space<vmem>>) semaphore(%arg10 : memref<!tpu.dma_semaphore, #tpu.memory_space<semaphore_mem>>)
      %dma_wait3A = arith.constant 0 : i32
      %dma_wait3A_63 = tpu.memref_slice %arg6[%scan3A_56, %dma_wait3A] : memref<79x128xi32, #tpu.memory_space<vmem>> -> memref<1x128xi32, #tpu.memory_space<vmem>>
      %dma_wait3A_64 = tpu.memref_squeeze %dma_wait3A_63 : memref<1x128xi32, #tpu.memory_space<vmem>> -> memref<128xi32, #tpu.memory_space<vmem>>
      %dma_wait3A_65 = arith.constant 0 : i32
      %dma_wait3A_66 = arith.constant 0 : i32
      %dma_wait3A_67 = tpu.memref_slice %arg2[%dma_wait3A_65, %dma_wait3A_66] : memref<10000x128xf32, #tpu.memory_space<hbm>> -> memref<10000x128xf32, #tpu.memory_space<hbm>>
      tpu.wait_indirect_dma semaphore(%arg10 : memref<!tpu.dma_semaphore, #tpu.memory_space<semaphore_mem>>) src(%dma_wait3A_67 : memref<10000x128xf32, #tpu.memory_space<hbm>>) dst(%arg8 : memref<128x128xf32, #tpu.memory_space<vmem>>)
      %dma_start3A_68 = arith.constant 0 : i32
      %dma_start3A_69 = tpu.memref_slice %arg7[%scan3A_56, %dma_start3A_68] : memref<79x128xi32, #tpu.memory_space<vmem>> -> memref<1x128xi32, #tpu.memory_space<vmem>>
      %dma_start3A_70 = tpu.memref_squeeze %dma_start3A_69 : memref<1x128xi32, #tpu.memory_space<vmem>> -> memref<128xi32, #tpu.memory_space<vmem>>
      %dma_start3A_71 = arith.constant 0 : i32
      %dma_start3A_72 = arith.constant 0 : i32
      %dma_start3A_73 = tpu.memref_slice %arg9[%dma_start3A_71, %dma_start3A_72] : memref<10240x128xf32, #tpu.memory_space<vmem_shared>> -> memref<10240x128xf32, #tpu.memory_space<vmem_shared>>
      tpu.enqueue_indirect_dma source(%arg8 : memref<128x128xf32, #tpu.memory_space<vmem>>) target(%dma_start3A_73 : memref<10240x128xf32, #tpu.memory_space<vmem_shared>>) offsets(%dma_start3A_70 : memref<128xi32, #tpu.memory_space<vmem>>) semaphore(%arg11 : memref<!tpu.dma_semaphore, #tpu.memory_space<semaphore_mem>>) {add = true}
      %dma_wait3A_74 = arith.constant 0 : i32
      %dma_wait3A_75 = tpu.memref_slice %arg7[%scan3A_56, %dma_wait3A_74] : memref<79x128xi32, #tpu.memory_space<vmem>> -> memref<1x128xi32, #tpu.memory_space<vmem>>
      %dma_wait3A_76 = tpu.memref_squeeze %dma_wait3A_75 : memref<1x128xi32, #tpu.memory_space<vmem>> -> memref<128xi32, #tpu.memory_space<vmem>>
      %dma_wait3A_77 = arith.constant 0 : i32
      %dma_wait3A_78 = arith.constant 0 : i32
      %dma_wait3A_79 = tpu.memref_slice %arg9[%dma_wait3A_77, %dma_wait3A_78] : memref<10240x128xf32, #tpu.memory_space<vmem_shared>> -> memref<10240x128xf32, #tpu.memory_space<vmem_shared>>
      tpu.wait_indirect_dma semaphore(%arg11 : memref<!tpu.dma_semaphore, #tpu.memory_space<semaphore_mem>>) src(%arg8 : memref<128x128xf32, #tpu.memory_space<vmem>>) dst(%dma_wait3A_79 : memref<10240x128xf32, #tpu.memory_space<vmem_shared>>)
      %scan3A_80 = arith.constant 0 : i32
      scf.yield %scan3A_80 : i32
    }
    %scan3A_34 = arith.constant 79 : i32
    %barrier3A_35 = arith.constant 0 : index
    tpu.barrier barrier_id(%barrier3A_35)
    %mul3A_36 = arith.constant 640 : i32
    %mul3A_37 = arith.muli %arg1, %mul3A_36 : i32
    %add3A_38 = arith.constant 0 : i32
    %add3A_39 = arith.addi %mul3A_37, %add3A_38 : i32
    "tpu.region"() ({
      %run_scoped3A = tpu.sem_alloc : memref<!tpu.dma_semaphore, #tpu.memory_space<semaphore_mem>>
      %dma_start3A = arith.constant 0 : i32
      %dma_start3A_56 = tpu.memref_slice %arg5[%arg0, %add3A_39, %dma_start3A] : memref<2x10240x128xf32, #tpu.memory_space<hbm>> -> memref<1x128x128xf32, #tpu.memory_space<hbm>>
      %dma_start3A_57 = tpu.memref_squeeze %dma_start3A_56 : memref<1x128x128xf32, #tpu.memory_space<hbm>> -> memref<128x128xf32, #tpu.memory_space<hbm>>
      %dma_start3A_58 = arith.constant 0 : i32
      %dma_start3A_59 = tpu.memref_slice %arg9[%add3A_39, %dma_start3A_58] : memref<10240x128xf32, #tpu.memory_space<vmem_shared>> -> memref<128x128xf32, #tpu.memory_space<vmem_shared>>
      tpu.enqueue_dma source(%dma_start3A_59 : memref<128x128xf32, #tpu.memory_space<vmem_shared>>) target(%dma_start3A_57 : memref<128x128xf32, #tpu.memory_space<hbm>>) target_semaphore(%run_scoped3A : memref<!tpu.dma_semaphore, #tpu.memory_space<semaphore_mem>>)
      %dma_wait3A = arith.constant 0 : i32
      %dma_wait3A_60 = tpu.memref_slice %arg5[%arg0, %add3A_39, %dma_wait3A] : memref<2x10240x128xf32, #tpu.memory_space<hbm>> -> memref<1x128x128xf32, #tpu.memory_space<hbm>>
      %dma_wait3A_61 = tpu.memref_squeeze %dma_wait3A_60 : memref<1x128x128xf32, #tpu.memory_space<hbm>> -> memref<128x128xf32, #tpu.memory_space<hbm>>
      %dma_wait3A_62 = arith.constant 0 : i32
      %dma_wait3A_63 = tpu.memref_slice %arg9[%add3A_39, %dma_wait3A_62] : memref<10240x128xf32, #tpu.memory_space<vmem_shared>> -> memref<128x128xf32, #tpu.memory_space<vmem_shared>>
      tpu.wait_dma2 semaphore(%run_scoped3A : memref<!tpu.dma_semaphore, #tpu.memory_space<semaphore_mem>>) src(%dma_wait3A_63 : memref<128x128xf32, #tpu.memory_space<vmem_shared>>) dst(%dma_wait3A_61 : memref<128x128xf32, #tpu.memory_space<hbm>>)
      tpu.yield
    }) : () -> ()
    %mul3A_40 = arith.constant 640 : i32
    %mul3A_41 = arith.muli %arg1, %mul3A_40 : i32
    %add3A_42 = arith.constant 128 : i32
    %add3A_43 = arith.addi %mul3A_41, %add3A_42 : i32
    "tpu.region"() ({
      %run_scoped3A = tpu.sem_alloc : memref<!tpu.dma_semaphore, #tpu.memory_space<semaphore_mem>>
      %dma_start3A = arith.constant 0 : i32
      %dma_start3A_56 = tpu.memref_slice %arg5[%arg0, %add3A_43, %dma_start3A] : memref<2x10240x128xf32, #tpu.memory_space<hbm>> -> memref<1x128x128xf32, #tpu.memory_space<hbm>>
      %dma_start3A_57 = tpu.memref_squeeze %dma_start3A_56 : memref<1x128x128xf32, #tpu.memory_space<hbm>> -> memref<128x128xf32, #tpu.memory_space<hbm>>
      %dma_start3A_58 = arith.constant 0 : i32
      %dma_start3A_59 = tpu.memref_slice %arg9[%add3A_43, %dma_start3A_58] : memref<10240x128xf32, #tpu.memory_space<vmem_shared>> -> memref<128x128xf32, #tpu.memory_space<vmem_shared>>
      tpu.enqueue_dma source(%dma_start3A_59 : memref<128x128xf32, #tpu.memory_space<vmem_shared>>) target(%dma_start3A_57 : memref<128x128xf32, #tpu.memory_space<hbm>>) target_semaphore(%run_scoped3A : memref<!tpu.dma_semaphore, #tpu.memory_space<semaphore_mem>>)
      %dma_wait3A = arith.constant 0 : i32
      %dma_wait3A_60 = tpu.memref_slice %arg5[%arg0, %add3A_43, %dma_wait3A] : memref<2x10240x128xf32, #tpu.memory_space<hbm>> -> memref<1x128x128xf32, #tpu.memory_space<hbm>>
      %dma_wait3A_61 = tpu.memref_squeeze %dma_wait3A_60 : memref<1x128x128xf32, #tpu.memory_space<hbm>> -> memref<128x128xf32, #tpu.memory_space<hbm>>
      %dma_wait3A_62 = arith.constant 0 : i32
      %dma_wait3A_63 = tpu.memref_slice %arg9[%add3A_43, %dma_wait3A_62] : memref<10240x128xf32, #tpu.memory_space<vmem_shared>> -> memref<128x128xf32, #tpu.memory_space<vmem_shared>>
      tpu.wait_dma2 semaphore(%run_scoped3A : memref<!tpu.dma_semaphore, #tpu.memory_space<semaphore_mem>>) src(%dma_wait3A_63 : memref<128x128xf32, #tpu.memory_space<vmem_shared>>) dst(%dma_wait3A_61 : memref<128x128xf32, #tpu.memory_space<hbm>>)
      tpu.yield
    }) : () -> ()
    %mul3A_44 = arith.constant 640 : i32
    %mul3A_45 = arith.muli %arg1, %mul3A_44 : i32
    %add3A_46 = arith.constant 256 : i32
    %add3A_47 = arith.addi %mul3A_45, %add3A_46 : i32
    "tpu.region"() ({
      %run_scoped3A = tpu.sem_alloc : memref<!tpu.dma_semaphore, #tpu.memory_space<semaphore_mem>>
      %dma_start3A = arith.constant 0 : i32
      %dma_start3A_56 = tpu.memref_slice %arg5[%arg0, %add3A_47, %dma_start3A] : memref<2x10240x128xf32, #tpu.memory_space<hbm>> -> memref<1x128x128xf32, #tpu.memory_space<hbm>>
      %dma_start3A_57 = tpu.memref_squeeze %dma_start3A_56 : memref<1x128x128xf32, #tpu.memory_space<hbm>> -> memref<128x128xf32, #tpu.memory_space<hbm>>
      %dma_start3A_58 = arith.constant 0 : i32
      %dma_start3A_59 = tpu.memref_slice %arg9[%add3A_47, %dma_start3A_58] : memref<10240x128xf32, #tpu.memory_space<vmem_shared>> -> memref<128x128xf32, #tpu.memory_space<vmem_shared>>
      tpu.enqueue_dma source(%dma_start3A_59 : memref<128x128xf32, #tpu.memory_space<vmem_shared>>) target(%dma_start3A_57 : memref<128x128xf32, #tpu.memory_space<hbm>>) target_semaphore(%run_scoped3A : memref<!tpu.dma_semaphore, #tpu.memory_space<semaphore_mem>>)
      %dma_wait3A = arith.constant 0 : i32
      %dma_wait3A_60 = tpu.memref_slice %arg5[%arg0, %add3A_47, %dma_wait3A] : memref<2x10240x128xf32, #tpu.memory_space<hbm>> -> memref<1x128x128xf32, #tpu.memory_space<hbm>>
      %dma_wait3A_61 = tpu.memref_squeeze %dma_wait3A_60 : memref<1x128x128xf32, #tpu.memory_space<hbm>> -> memref<128x128xf32, #tpu.memory_space<hbm>>
      %dma_wait3A_62 = arith.constant 0 : i32
      %dma_wait3A_63 = tpu.memref_slice %arg9[%add3A_47, %dma_wait3A_62] : memref<10240x128xf32, #tpu.memory_space<vmem_shared>> -> memref<128x128xf32, #tpu.memory_space<vmem_shared>>
      tpu.wait_dma2 semaphore(%run_scoped3A : memref<!tpu.dma_semaphore, #tpu.memory_space<semaphore_mem>>) src(%dma_wait3A_63 : memref<128x128xf32, #tpu.memory_space<vmem_shared>>) dst(%dma_wait3A_61 : memref<128x128xf32, #tpu.memory_space<hbm>>)
      tpu.yield
    }) : () -> ()
    %mul3A_48 = arith.constant 640 : i32
    %mul3A_49 = arith.muli %arg1, %mul3A_48 : i32
    %add3A_50 = arith.constant 384 : i32
    %add3A_51 = arith.addi %mul3A_49, %add3A_50 : i32
    "tpu.region"() ({
      %run_scoped3A = tpu.sem_alloc : memref<!tpu.dma_semaphore, #tpu.memory_space<semaphore_mem>>
      %dma_start3A = arith.constant 0 : i32
      %dma_start3A_56 = tpu.memref_slice %arg5[%arg0, %add3A_51, %dma_start3A] : memref<2x10240x128xf32, #tpu.memory_space<hbm>> -> memref<1x128x128xf32, #tpu.memory_space<hbm>>
      %dma_start3A_57 = tpu.memref_squeeze %dma_start3A_56 : memref<1x128x128xf32, #tpu.memory_space<hbm>> -> memref<128x128xf32, #tpu.memory_space<hbm>>
      %dma_start3A_58 = arith.constant 0 : i32
      %dma_start3A_59 = tpu.memref_slice %arg9[%add3A_51, %dma_start3A_58] : memref<10240x128xf32, #tpu.memory_space<vmem_shared>> -> memref<128x128xf32, #tpu.memory_space<vmem_shared>>
      tpu.enqueue_dma source(%dma_start3A_59 : memref<128x128xf32, #tpu.memory_space<vmem_shared>>) target(%dma_start3A_57 : memref<128x128xf32, #tpu.memory_space<hbm>>) target_semaphore(%run_scoped3A : memref<!tpu.dma_semaphore, #tpu.memory_space<semaphore_mem>>)
      %dma_wait3A = arith.constant 0 : i32
      %dma_wait3A_60 = tpu.memref_slice %arg5[%arg0, %add3A_51, %dma_wait3A] : memref<2x10240x128xf32, #tpu.memory_space<hbm>> -> memref<1x128x128xf32, #tpu.memory_space<hbm>>
      %dma_wait3A_61 = tpu.memref_squeeze %dma_wait3A_60 : memref<1x128x128xf32, #tpu.memory_space<hbm>> -> memref<128x128xf32, #tpu.memory_space<hbm>>
      %dma_wait3A_62 = arith.constant 0 : i32
      %dma_wait3A_63 = tpu.memref_slice %arg9[%add3A_51, %dma_wait3A_62] : memref<10240x128xf32, #tpu.memory_space<vmem_shared>> -> memref<128x128xf32, #tpu.memory_space<vmem_shared>>
      tpu.wait_dma2 semaphore(%run_scoped3A : memref<!tpu.dma_semaphore, #tpu.memory_space<semaphore_mem>>) src(%dma_wait3A_63 : memref<128x128xf32, #tpu.memory_space<vmem_shared>>) dst(%dma_wait3A_61 : memref<128x128xf32, #tpu.memory_space<hbm>>)
      tpu.yield
    }) : () -> ()
    %mul3A_52 = arith.constant 640 : i32
    %mul3A_53 = arith.muli %arg1, %mul3A_52 : i32
    %add3A_54 = arith.constant 512 : i32
    %add3A_55 = arith.addi %mul3A_53, %add3A_54 : i32
    "tpu.region"() ({
      %run_scoped3A = tpu.sem_alloc : memref<!tpu.dma_semaphore, #tpu.memory_space<semaphore_mem>>
      %dma_start3A = arith.constant 0 : i32
      %dma_start3A_56 = tpu.memref_slice %arg5[%arg0, %add3A_55, %dma_start3A] : memref<2x10240x128xf32, #tpu.memory_space<hbm>> -> memref<1x128x128xf32, #tpu.memory_space<hbm>>
      %dma_start3A_57 = tpu.memref_squeeze %dma_start3A_56 : memref<1x128x128xf32, #tpu.memory_space<hbm>> -> memref<128x128xf32, #tpu.memory_space<hbm>>
      %dma_start3A_58 = arith.constant 0 : i32
      %dma_start3A_59 = tpu.memref_slice %arg9[%add3A_55, %dma_start3A_58] : memref<10240x128xf32, #tpu.memory_space<vmem_shared>> -> memref<128x128xf32, #tpu.memory_space<vmem_shared>>
      tpu.enqueue_dma source(%dma_start3A_59 : memref<128x128xf32, #tpu.memory_space<vmem_shared>>) target(%dma_start3A_57 : memref<128x128xf32, #tpu.memory_space<hbm>>) target_semaphore(%run_scoped3A : memref<!tpu.dma_semaphore, #tpu.memory_space<semaphore_mem>>)
      %dma_wait3A = arith.constant 0 : i32
      %dma_wait3A_60 = tpu.memref_slice %arg5[%arg0, %add3A_55, %dma_wait3A] : memref<2x10240x128xf32, #tpu.memory_space<hbm>> -> memref<1x128x128xf32, #tpu.memory_space<hbm>>
      %dma_wait3A_61 = tpu.memref_squeeze %dma_wait3A_60 : memref<1x128x128xf32, #tpu.memory_space<hbm>> -> memref<128x128xf32, #tpu.memory_space<hbm>>
      %dma_wait3A_62 = arith.constant 0 : i32
      %dma_wait3A_63 = tpu.memref_slice %arg9[%add3A_55, %dma_wait3A_62] : memref<10240x128xf32, #tpu.memory_space<vmem_shared>> -> memref<128x128xf32, #tpu.memory_space<vmem_shared>>
      tpu.wait_dma2 semaphore(%run_scoped3A : memref<!tpu.dma_semaphore, #tpu.memory_space<semaphore_mem>>) src(%dma_wait3A_63 : memref<128x128xf32, #tpu.memory_space<vmem_shared>>) dst(%dma_wait3A_61 : memref<128x128xf32, #tpu.memory_space<hbm>>)
      tpu.yield
    }) : () -> ()
    return
  }
}

module attributes {stable_mosaic.version = 14 : i64} {
  func.func @_mlp_body(%arg0: i32, %arg1: memref<2000x128xf32, #tpu.memory_space<vmem>>, %arg2: memref<1x2000x128xf32, #tpu.memory_space<vmem>>, %arg3: memref<1x2000x128xf32, #tpu.memory_space<vmem>>, %arg4: memref<128x128xf32, #tpu.memory_space<vmem>>, %arg5: memref<1x128xf32, #tpu.memory_space<vmem>>, %arg6: memref<128x128xf32, #tpu.memory_space<vmem>>, %arg7: memref<1x128xf32, #tpu.memory_space<vmem>>, %arg8: memref<2000x128xf32, #tpu.memory_space<vmem>>) attributes {dimension_semantics = [#tpu.dimension_semantics<arbitrary>], iteration_bounds = array<i64: 5>, scalar_prefetch = 0 : i64, scratch_operands = 0 : i64, tpu.core_type = #tpu.core_type<tc>, window_params = [{transform_indices = @transform_0, window_bounds = array<i64: 2000, 128>}, {transform_indices = @transform_1, window_bounds = array<i64: 1, 2000, 128>}, {transform_indices = @transform_2, window_bounds = array<i64: 1, 2000, 128>}, {pipeline_mode = #tpu.pipeline_mode<synchronous>, transform_indices = @transform_3, window_bounds = array<i64: 128, 128>}, {pipeline_mode = #tpu.pipeline_mode<synchronous>, transform_indices = @transform_4, window_bounds = array<i64: 1, 128>}, {pipeline_mode = #tpu.pipeline_mode<synchronous>, transform_indices = @transform_5, window_bounds = array<i64: 128, 128>}, {pipeline_mode = #tpu.pipeline_mode<synchronous>, transform_indices = @transform_6, window_bounds = array<i64: 1, 128>}, {transform_indices = @transform_7, window_bounds = array<i64: 2000, 128>}]} {
    %get3A = arith.constant 0 : index
    %get3A_0 = arith.constant 0 : index
    %get3A_1 = vector.load %arg1[%get3A, %get3A_0] : memref<2000x128xf32, #tpu.memory_space<vmem>>, vector<2000x128xf32>
    %get3A_2 = arith.constant 0 : index
    %get3A_3 = arith.constant 0 : index
    %get3A_4 = arith.constant 0 : index
    %get3A_5 = vector.load %arg2[%get3A_2, %get3A_3, %get3A_4] : memref<1x2000x128xf32, #tpu.memory_space<vmem>>, vector<1x2000x128xf32>
    %get3A_6 = vector.shape_cast %get3A_5 : vector<1x2000x128xf32> to vector<2000x128xf32>
    %add3A = arith.addf %get3A_1, %get3A_6 : vector<2000x128xf32>
    %get3A_7 = arith.constant 0 : index
    %get3A_8 = arith.constant 0 : index
    %get3A_9 = arith.constant 0 : index
    %get3A_10 = vector.load %arg3[%get3A_7, %get3A_8, %get3A_9] : memref<1x2000x128xf32, #tpu.memory_space<vmem>>, vector<1x2000x128xf32>
    %get3A_11 = vector.shape_cast %get3A_10 : vector<1x2000x128xf32> to vector<2000x128xf32>
    %add3A_12 = arith.addf %add3A, %get3A_11 : vector<2000x128xf32>
    %get3A_13 = arith.constant 0 : index
    %get3A_14 = arith.constant 0 : index
    %get3A_15 = vector.load %arg4[%get3A_13, %get3A_14] : memref<128x128xf32, #tpu.memory_space<vmem>>, vector<128x128xf32>
    %dot_general3A = arith.constant dense<0.000000e+00> : vector<2000x128xf32>
    %dot_general3A_16 = tpu.matmul %add3A_12, %get3A_15, %dot_general3A {dimension_numbers = #tpu.dot_dimension_numbers<[1], [0], [0], [1], [0, 0, 1, 1], [], []>, transpose_lhs_hint = false} : vector<2000x128xf32>, vector<128x128xf32>, vector<2000x128xf32> -> vector<2000x128xf32>
    %get3A_17 = arith.constant 0 : index
    %get3A_18 = arith.constant 0 : index
    %get3A_19 = vector.load %arg5[%get3A_17, %get3A_18] : memref<1x128xf32, #tpu.memory_space<vmem>>, vector<1x128xf32>
    %add3A_20 = vector.broadcast %get3A_19 : vector<1x128xf32> to vector<2000x128xf32>
    %add3A_21 = arith.addf %dot_general3A_16, %add3A_20 : vector<2000x128xf32>
    %max3A = arith.constant 0.000000e+00 : f32
    %max3A_22 = vector.broadcast %max3A : f32 to vector<2000x128xf32>
    %max3A_23 = arith.maximumf %add3A_21, %max3A_22 : vector<2000x128xf32>
    %get3A_24 = arith.constant 0 : index
    %get3A_25 = arith.constant 0 : index
    %get3A_26 = vector.load %arg6[%get3A_24, %get3A_25] : memref<128x128xf32, #tpu.memory_space<vmem>>, vector<128x128xf32>
    %dot_general3A_27 = arith.constant dense<0.000000e+00> : vector<2000x128xf32>
    %dot_general3A_28 = tpu.matmul %max3A_23, %get3A_26, %dot_general3A_27 {dimension_numbers = #tpu.dot_dimension_numbers<[1], [0], [0], [1], [0, 0, 1, 1], [], []>, transpose_lhs_hint = false} : vector<2000x128xf32>, vector<128x128xf32>, vector<2000x128xf32> -> vector<2000x128xf32>
    %get3A_29 = arith.constant 0 : index
    %get3A_30 = arith.constant 0 : index
    %get3A_31 = vector.load %arg7[%get3A_29, %get3A_30] : memref<1x128xf32, #tpu.memory_space<vmem>>, vector<1x128xf32>
    %add3A_32 = vector.broadcast %get3A_31 : vector<1x128xf32> to vector<2000x128xf32>
    %add3A_33 = arith.addf %dot_general3A_28, %add3A_32 : vector<2000x128xf32>
    %swap3A = arith.constant 0 : index
    %swap3A_34 = arith.constant 0 : index
    %swap3A_35 = vector.load %arg8[%swap3A, %swap3A_34] : memref<2000x128xf32, #tpu.memory_space<vmem>>, vector<2000x128xf32>
    tpu.vector_store %arg8[%swap3A, %swap3A_34], %add3A_33 {strides = array<i32>} : memref<2000x128xf32, #tpu.memory_space<vmem>>, vector<2000x128xf32>,
    return
  }
  func.func @transform_0(%arg0: i32) -> (i32, i32) {
    %c0_i32 = arith.constant 0 : i32
    %c0_i32_0 = arith.constant 0 : i32
    return %arg0, %c0_i32 : i32, i32
  }
  func.func @transform_1(%arg0: i32) -> (i32, i32, i32) {
    %c0_i32 = arith.constant 0 : i32
    %c0_i32_0 = arith.constant 0 : i32
    %c0_i32_1 = arith.constant 0 : i32
    return %c0_i32, %arg0, %c0_i32_0 : i32, i32, i32
  }
  func.func @transform_2(%arg0: i32) -> (i32, i32, i32) {
    %c1_i32 = arith.constant 1 : i32
    %c0_i32 = arith.constant 0 : i32
    %c0_i32_0 = arith.constant 0 : i32
    return %c1_i32, %arg0, %c0_i32 : i32, i32, i32
  }
  func.func @transform_3(%arg0: i32) -> (i32, i32) {
    %c0_i32 = arith.constant 0 : i32
    %c0_i32_0 = arith.constant 0 : i32
    %c0_i32_1 = arith.constant 0 : i32
    return %c0_i32, %c0_i32_0 : i32, i32
  }
  func.func @transform_4(%arg0: i32) -> (i32, i32) {
    %c0_i32 = arith.constant 0 : i32
    %c0_i32_0 = arith.constant 0 : i32
    %c0_i32_1 = arith.constant 0 : i32
    return %c0_i32, %c0_i32_0 : i32, i32
  }
  func.func @transform_5(%arg0: i32) -> (i32, i32) {
    %c0_i32 = arith.constant 0 : i32
    %c0_i32_0 = arith.constant 0 : i32
    %c0_i32_1 = arith.constant 0 : i32
    return %c0_i32, %c0_i32_0 : i32, i32
  }
  func.func @transform_6(%arg0: i32) -> (i32, i32) {
    %c0_i32 = arith.constant 0 : i32
    %c0_i32_0 = arith.constant 0 : i32
    %c0_i32_1 = arith.constant 0 : i32
    return %c0_i32, %c0_i32_0 : i32, i32
  }
  func.func @transform_7(%arg0: i32) -> (i32, i32) {
    %c0_i32 = arith.constant 0 : i32
    %c0_i32_0 = arith.constant 0 : i32
    return %arg0, %c0_i32 : i32, i32
  }
}

</mosaic_0001>

<sc_bundles>
// kernel: kernel.4.cloned.1.call-start
scs
__scs_entry_jumppad:
0x0: {  	(pc) =	sbr.rel $0x88, $3  }
0x1: {  	(tag) =	ssettag $0x0;
	lr =	simm.s32 $0x1  }
0x2: {  	[smem:$0x3F9B] =	sst lr;
	_ =	strace $0xD0000000  }
0x3: {  	_ = 	snop  }
0x4: {  	_ = 	snop  }
0x5: {  	_ = 	snop  }
0x6: {  	_ = 	snop  }
0x7: {  	_ = 	snop  }
__scs_overlays_trampoline_lowered:
0x8: {  	[smem:$0x3FAA] =	sst s0  }
0x9: {  	[smem:$0x3FAB] =	sst s1  }
0xa: {  	[smem:$0x3FAC] =	sst s2  }
0xb: {  	[smem:$0x3FAD] =	sst s3  }
0xc: {  	[smem:$0x3FAE] =	sst s4  }
0xd: {  	[smem:$0x3FAF] =	sst s5  }
0xe: {  	[smem:$0x3FB0] =	sst s6  }
0xf: {  	[smem:$0x3FB1] =	sst s7  }
0x10: {  	[smem:$0x3FB2] =	sst s8  }
0x11: {  	[smem:$0x3FB3] =	sst s9;
	s0 =	simm.s32 @!p0 $0x0  }
0x12: {  	s1 =	sld [smem:$0x3F99];
	s0 =	simm.s32 @p0 $0x1  }
0x13: {  	[smem:$0x3FB4] =	sst s0;
	s0 =	simm.s32 @!p1 $0x0  }
0x14: {  	s2 =	sld [smem:$0x3F98];
	s0 =	simm.s32 @p1 $0x1  }
0x15: {  	[smem:$0x3FB5] =	sst s0;
	s0 =	simm.s32 @!p2 $0x0  }
0x16: {  	s3 =	sld [smem:$0x3FDB];
	s0 =	simm.s32 @p2 $0x1  }
0x17: {  	s4 =	simm.s32 $0x1BF5;
	[smem:$0x3FB7] =	sst s0  }
0x18: {  	s0 =	sld [smem:$0x3F9A];
	_ =	swait.ge [sflag:s4], $0x0  }
0x19: {  	s7 =	sld [smem:$0x3F9B]  }
0x1a: {  	s8 =	sadd.s32 $0xFFFFE003, lr  }
0x1b: {  	s9 =	sadd.s32 $0xFFFFFEF7, lr;
	s5 =	simm.s32 $0xFFFFFFFF;
	p2 =	slt.u32 s8, $0xFFFFF086  }
0x1c: {  	p1 =	slt.u32 s9, $0xF7A;
	s5 =	simm.s32 @!p2 $0x0  }
0x1d: {  	s5 =	simm.s32 @p1 $0x1;
	p0 =	seq.s32 s7, s2  }
0x1e: {  	s7 =	smul.u32 @!p0 $0xF7A, s2;
	p2 =	seq.s32 @!p0 s5, $0x0  }
0x1f: {  	s9 =	smul.u32 $0xF7A, s1;
	s8 =	simm.s32 @!p0 $0x1BF5;
	p2 =	por !p2, p0  }
0x20: {  	[sflag:s8] =	ssyncset.s32 @!p0 $0xFFFFF086;
	s6 =	sadd.s32 @!p0 s3, s7;
	s7 =	simm.s32 @!p0 $0x108  }
0x21: {  	s3 =	sadd.s32 s3, s9;
	s6 =	sadd.s32 @!p0 $0x88, s6;
	s7 =	simm.s32 @p2 $0x1082  }
0x22: {  	[simem:s7], [sflag:s8] =	dma.local @!p0 [hbm:s6], $0xF7A  }
0x23: {  	s9 =	sor.u32 $0xD0000000, s2;
	s6 =	simm.s32 $0x108;
	_ =	swait.ge @!p0 [sflag:s8], $0x0  }
0x24: {  	s3 =	sadd.s32 $0x88, s3;
	s6 =	simm.s32 @!p1 $0x1082;
	[sflag:s4] =	ssyncset.s32 $0xFFFFF086  }
0x25: {  	[simem:s6], [sflag:s4] =	dma.local [hbm:s3], $0xF7A  }
0x26: {  	[smem:$0x3F9B] =	sst s1;
	(tag) =	ssettag s2;
	_ =	strace s9  }
0x27: {  	s1 =	sld [smem:$0x3FAB]  }
0x28: {  	s2 =	sld [smem:$0x3FAC]  }
0x29: {  	s4 =	sld [smem:$0x3FAE]  }
0x2a: {  	p0 =	seq.s32 s5, $0x0;
	s5 =	sld [smem:$0x3FAF]  }
0x2b: {  	s6 =	sld [smem:$0x3FB0]  }
0x2c: {  	s7 =	sld [smem:$0x3FB1]  }
0x2d: {  	s3 =	simm.s32 $0x108;
	s8 =	sld [smem:$0x3FB2]  }
0x2e: {  	s3 =	simm.s32 @!p0 $0x1082;
	s9 =	sld [smem:$0x3FB3]  }
0x2f: {  	lr =	sadd.s32 s0, s3;
	s0 =	sld [smem:$0x3FAA]  }
0x30: {  	s3 =	sld [smem:$0x3FAD]  }
0x31: {  	[smem:$0x3FB6] =	sst s10  }
0x32: {  	s10 =	sld [smem:$0x3FB4];
	_ =	sdelay $0x3  }
0x33: {  	p0 =	seq.s32 s10, $0x1;
	s10 =	sld [smem:$0x3FB6];
	_ =	sdelay $0x3  }
0x34: {  	[smem:$0x3FB6] =	sst s10  }
0x35: {  	s10 =	sld [smem:$0x3FB5];
	_ =	sdelay $0x3  }
0x36: {  	p1 =	seq.s32 s10, $0x1;
	s10 =	sld [smem:$0x3FB6];
	_ =	sdelay $0x3  }
0x37: {  	[smem:$0x3FB6] =	sst s10  }
0x38: {  	s10 =	sld [smem:$0x3FB7]  }
0x39: {  	_ = 	snop;
	(pc) =	sbr.ind lr, $3  }
0x3a: {  	_ = 	snop  }
0x3b: {  	_ = 	snop  }
0x3c: {  	p2 =	seq.s32 s10, $0x1;
	s10 =	sld [smem:$0x3FB6]  }
0x3d: {  	_ =	shalt  }
0x3e: {  	_ =	shalt  }
0x3f: {  	_ =	shalt  }
0x40: {  	_ =	shalt  }
0x41: {  	_ =	shalt  }
0x42: {  	_ =	shalt  }
0x43: {  	_ =	shalt  }
0x44: {  	_ =	shalt  }
0x45: {  	_ =	shalt  }
0x46: {  	_ =	shalt  }
0x47: {  	_ =	shalt  }
0x48: {  	_ =	shalt  }
0x49: {  	_ =	shalt  }
0x4a: {  	_ =	shalt  }
0x4b: {  	_ =	shalt  }
0x4c: {  	_ =	shalt  }
0x4d: {  	_ =	shalt  }
0x4e: {  	_ =	shalt  }
0x4f: {  	_ =	shalt  }
0x50: {  	_ =	shalt  }
0x51: {  	_ =	shalt  }
0x52: {  	_ =	shalt  }
0x53: {  	_ =	shalt  }
0x54: {  	_ =	shalt  }
0x55: {  	_ =	shalt  }
0x56: {  	_ =	shalt  }
0x57: {  	_ =	shalt  }
0x58: {  	_ =	shalt  }
0x59: {  	_ =	shalt  }
0x5a: {  	_ =	shalt  }
0x5b: {  	_ =	shalt  }
0x5c: {  	_ =	shalt  }
0x5d: {  	_ =	shalt  }
0x5e: {  	_ =	shalt  }
0x5f: {  	_ =	shalt  }
0x60: {  	_ =	shalt  }
0x61: {  	_ =	shalt  }
0x62: {  	_ =	shalt  }
0x63: {  	_ =	shalt  }
0x64: {  	_ =	shalt  }
0x65: {  	_ =	shalt  }
0x66: {  	_ =	shalt  }
0x67: {  	_ =	shalt  }
0x68: {  	_ =	shalt  }
0x69: {  	_ =	shalt  }
0x6a: {  	_ =	shalt  }
0x6b: {  	_ =	shalt  }
0x6c: {  	_ =	shalt  }
0x6d: {  	_ =	shalt  }
0x6e: {  	_ =	shalt  }
0x6f: {  	_ =	shalt  }
0x70: {  	_ =	shalt  }
0x71: {  	_ =	shalt  }
0x72: {  	_ =	shalt  }
0x73: {  	_ =	shalt  }
0x74: {  	_ =	shalt  }
0x75: {  	_ =	shalt  }
0x76: {  	_ =	shalt  }
0x77: {  	_ =	shalt  }
0x78: {  	_ =	shalt  }
0x79: {  	_ =	shalt  }
0x7a: {  	_ =	shalt  }
0x7b: {  	_ =	shalt  }
0x7c: {  	_ =	shalt  }
0x7d: {  	_ =	shalt  }
0x7e: {  	_ =	shalt  }
0x7f: {  	_ =	shalt  }
0x80: {  	_ =	shalt  }
0x81: {  	_ =	shalt  }
0x82: {  	_ =	shalt  }
0x83: {  	_ =	shalt  }
0x84: {  	_ =	shalt  }
0x85: {  	_ =	shalt  }
0x86: {  	_ =	shalt  }
0x87: {  	_ =	shalt  }
.Lfunc_end0:
.L_simem_size_0:
called_computation_lowered:
.L_overlay_start_0:
0x88: {  	s2 =	sld [smem:$0x3FD9]  }
0x89: {  	s3 =	sld [smem:$0x3FFE];
	_ =	sdelay $0x1  }
0x8a: {  	s1 =	srdreg.scid  }
0x8b: {  	s0 =	sand.u32 $0x1, s1  }
0x8c: {  	s17 =	sshll.u32 s0, $0xA;
	s2 =	sadd.s32 s3, s2  }
0x8d: {  	s2 =	sadd.s32 s2, s17  }
0x8e: {  	[smem:$0x3FC2] =	sst s2  }
0x8f: {  	_ = 	snop  }
0x90: {  	s2 =	sld [smem:$0x3FC9]  }
0x91: {  	s18 =	sld [smem:$0x3FD0];
	(tm) =	ssettm $0x1  }
0x92: {  	s4 =	sld [smem:$0x3FFB];
	_ =	sdelay $0x3  }
0x93: {  	_ =	strace s4  }
0x94: {  	s4 =	sld [smem:$0x3FFC];
	_ =	sdelay $0x3  }
0x95: {  	_ =	strace s4  }
0x96: {  	s4 =	sld [smem:$0x3FFD];
	_ =	sdelay $0x3  }
0x97: {  	_ =	strace s4  }
0x98: {  	_ =	strace $0x8FFFFFFF  }
0x99: {  	s19 =	sld [smem:$0x3FDB];
	_ =	sdelay $0x1  }
0x9a: {  	s5 =	simm.s32 $_scs_section_size  }
0x9b: {  	s6 =	simm.s32 $_size__tile_overlayer_lowered;
	s7 =	simm.s32 $_tile_overlayer_lowered  }
0x9c: {  	s22 =	simm.s32 $0x1BFF;
	s21 =	sshll.u32 s7, $0x1;
	s4 =	sadd.s32 s5, s19  }
0x9d: {  	s8 =	simm.s32 $0x0;
	s20 =	sshll.u32 s6, $0x1;
	s6 =	sadd.s32 s21, s4  }
0x9e: {  	[timem:s8], [sflag:s22] =	dma.local [hbm:s6], s20  }
0x9f: {  	_ =	swait.ge [sflag:s22], s20  }
0xa0: {  	s5 =	ssub.s32 $0x0, s20;
	[sflag:s22] =	ssyncset.done $0x0  }
0xa1: {  	[sflag:s22] =	ssyncadd.s32 s5;
	_ =	sdelay $0x1  }
0xa2: {  	s23 =	simm.s32 $0x1B8B  }
0xa3: {  	_ =	swait.ge [sflag:s23], $0x1  }
0xa4: {  	[sflag:s23] =	ssyncset.done $0x0  }
0xa5: {  	s25 =	simm.s32 $0x1B8E;
	s24 =	sld [smem:$0x3FFE];
	[sflag:s23] =	ssyncadd.s32 $0xFFFFFFFF  }
0xa6: {  	s26 =	simm.s32 $execute0_lowered;
	[smem:$0x3FD2] =	sst s25  }
0xa7: {  	s6 =	sshll.u32 s26, $0x1;
	_ =	strace $0x80000046;
	[dreg:$0x1] =	wrdreg $0xFFFFFFFF  }
0xa8: {  	s28 =	simm.s32 $_size_execute0_lowered;
	s4 =	sadd.s32 s4, s6;
	[dreg:$0x0] =	wrdreg $0x0  }
0xa9: {  	s6 =	sshll.u32 s28, $0x1;
	[dreg:$0x2] =	wrdreg s4  }
0xaa: {  	[dreg:$0x3] =	wrdreg s6  }
0xab: {  	[dreg:$0x4] =	wrdreg $0xC0  }
0xac: {  	_ =	task [dreg:s8], $0x5FFFF  }
0xad: {  	[dreg:$0x1] =	wrdreg $0xFFFFFFFF  }
0xae: {  	[dreg:$0x0] =	wrdreg $0x60  }
0xaf: {  	[dreg:$0x2] =	wrdreg s2  }
0xb0: {  	[dreg:$0x3] =	wrdreg s18  }
0xb1: {  	[dreg:$0x4] =	wrdreg s24  }
0xb2: {  	[dreg:$0x5] =	wrdreg $0x90000  }
0xb3: {  	[dreg:$0x6] =	wrdreg $0x9  }
0xb4: {  	_ =	task.clear_ibuf [dreg:s8], $0x7FFFF;
	_ =	strace $0x90000046  }
0xb5: {  	s29 =	simm.s32 $0x9;
	_ =	strace $0x80000048  }
0xb6: {  	_ =	swait.ge [sflag:s29], $0x1  }
0xb7: {  	[sflag:s29] =	ssyncadd.s32 $0xFFFFFFFF  }
0xb8: {  	_ =	strace $0x90000048  }
0xb9: {  	_ =	sfence  }
0xba: {  	s30 =	sld [smem:$0x0];
	_ =	sdelay $0x2  }
0xbb: {  	s31 =	sshll.u32 s1, $0xD;
	s1 =	sshrl.u32 s1, $0x2  }
0xbc: {  	s3 =	sand.u32 $0x4000, s31;
	s1 =	sadd.s32 s1, s30  }
0xbd: {  	s0 =	sor.u32 s3, s0;
	s1 =	sshll.u32 s1, $0x11  }
0xbe: {  	s0 =	sor.u32 s1, s0  }
0xbf: {  	s0 =	sadd.s32 $0x8F2B, s0  }
0xc0: {  	[sflag:s0] =	ssyncadd.remote.s32 $0x1  }
0xc1: {  	_ =	sfence.sel $0xFFFF  }
0xc2: {  	[dreg:$0x0] =	wrdreg $0xFFFFFFFF;
	(pc) =	sbr.abs _section_cstart, $3  }
0xc3: {  	[dreg:$0x1] =	wrdreg $0xFFFFFFFF  }
0xc4: {  	_ =	task.clear_ibuf [dreg:s8], $0x2FFFF;
	_ =	strace $0x9FFFFFFF  }
0xc5: {  	(tm) =	ssettm $0x7FFFFFFF  }
tec
execute0_lowered:
.L_overlay_start_1:
0x0: {  	(tag) =	ssettag $0x1  }
0x1: {  	s1 =	rddreg [dreg:$0x0]  }
0x2: {  	s10 =	rddreg [dreg:$0x1];
	s2 =	srdreg.scid  }
0x3: {  	s0 =	stileid.u32;
	s5 =	rddreg [dreg:$0x2]  }
0x4: {  	s3 =	rddreg [dreg:$0x3];
	s4 =	simm.s32 $0x0;
	s21 =	simm.s32 $0x80  }
0x5: {  	s22 =	simm.s32 $0x1;
	s7 =	sand.u32 $0x1, s2;
	s2 =	rddreg [dreg:$0x4]  }
0x6: {  	s23 =	sshll.u32 s0, $0x1;
	[smem:$0x7FF] =	sst s4;
	s24 =	smul.u32 $0x50000, s0  }
0x7: {  	s12 =	smul.u32 $0x14000, s0;
	s16 =	sadd.s32 $0xAE00, s5;
	s6 =	sor.u32 s7, s23  }
0x8: {  	_ =	strace $0x80000047;
	s8 =	ssub.s32 $0x2, s7;
	s20 =	smul.u32 $0x140000, s7  }
0x9: {  	s23 =	simm.s32 $0x2;
	s11 =	smul.u32 $0x500, s6;
	s25 =	sshrl.u32 s8, $0x1  }
0xa: {  	s26 =	sshrl.u32 s24, $0x2;
	s14 =	sadd.s32 $0x4000, s12;
	s15 =	sadd.s32 $0x8000, s12  }
0xb: {  	s18 =	sadd.s32 $0xC000, s12;
	s19 =	sadd.s32 $0x10000, s12;
	s17 =	ssub.s32 s8, s25  }
0xc: {  	s6 =	sadd.s32 s14, s3;
	s7 =	sadd.s32 s15, s3;
	s8 =	sadd.s32 s18, s3  }
0xd: {  	s9 =	sadd.s32 s19, s3;
	s12 =	sadd.s32 s12, s20;
	s14 =	sadd.s32 s20, s14  }
0xe: {  	s29 =	sadd.s32 s20, s15;
	s30 =	sadd.s32 s20, s18;
	s31 =	sadd.s32 s20, s19  }
0xf: {  	s19 =	simm.s32 $0x3;
	s20 =	simm.s32 $0x2800;
	s13 =	sadd.s32 s11, s5  }
0x10: {  	s5 =	sadd.s32 s26, s3;
	s10 =	sadd.s32 s10, s11;
	s12 =	sshrl.u32 s12, $0x3  }
0x11: {  	s28 =	sshrl.u32 s14, $0x3;
	s14 =	sshrl.u32 s29, $0x3;
	s15 =	sshrl.u32 s30, $0x3  }
0x12: {  	s18 =	sshrl.u32 s31, $0x3;
	s17 =	smax.u32 s17, $0x1;
	s11 =	sadd.s32 $0xE00, s13  }
0x13: {  	s12 =	sadd.s32 s16, s12;
	s13 =	sadd.s32 s16, s28;
	s14 =	sadd.s32 s16, s14  }
0x14: {  	v0 =	vimm.f32 $0.0e+00;
	s15 =	sadd.s32 s16, s15;
	s16 =	sadd.s32 s16, s18;
	s18 =	simm.s32 $0x5000  }
.LBB2_1:
0x15: {  	s24 =	simm.s32 $0x0;
	s25 =	simm.s32 $0x200  }
.LBB2_2:
0x16: {  	p0 =	sne.s32 s25, $0xFE00;
	[tilespmem:s24+$0x5070] =	vst v0  }
0x17: {  	[tilespmem:s24+$0x5000] =	vst v0  }
0x18: {  	[tilespmem:s24+$0x5010] =	vst v0  }
.Ltmp0:
0x19: {  	[tilespmem:s24+$0x5020] =	vst v0;
	(pc) =	sbr.rel @p0 .LBB2_2-.Ltmp0, $4  }
0x1a: {  	[tilespmem:s24+$0x5030] =	vst v0  }
0x1b: {  	[tilespmem:s24+$0x5040] =	vst v0  }
0x1c: {  	[tilespmem:s24+$0x5050] =	vst v0  }
0x1d: {  	[tilespmem:s24+$0x5060] =	vst v0;
	s24 =	sshra.s32 s25, $0x2;
	s25 =	sadd.s32 $0x200, s25  }
0x1e: {  	[tilespmem:s24+$0x5070] =	vst v0  }
0x1f: {  	[tilespmem:s24+$0x5000] =	vst v0  }
0x20: {  	[tilespmem:s24+$0x5010] =	vst v0  }
0x21: {  	[tilespmem:s24+$0x5020] =	vst v0  }
0x22: {  	[tilespmem:s24+$0x5030] =	vst v0  }
0x23: {  	[tilespmem:s24+$0x5040] =	vst v0  }
0x24: {  	[tilespmem:s24+$0x5050] =	vst v0  }
0x25: {  	[tilespmem:s24+$0x5060] =	vst v0  }
0x26: {  	[spmem:s5] =	stream.linear.scatter [tilespmem:s18], [sflag:$0x3], $0x4000, $0x38;
	[tilespmem:$0x1D000] =	vst v63  }
0x27: {  	_ =	swait.ge [sflag:s19], $0x4000  }
0x28: {  	[sflag:s19] =	ssyncset.done $0x0  }
0x29: {  	[sflag:s19] =	ssyncadd.s32 $0xFFFFC000  }
0x2a: {  	[spmem:s6] =	stream.linear.scatter [tilespmem:s18], [sflag:$0x3], $0x4000, $0x38;
	[tilespmem:$0x1D000] =	vst v63  }
0x2b: {  	_ =	swait.ge [sflag:s19], $0x4000  }
0x2c: {  	[sflag:s19] =	ssyncset.done $0x0  }
0x2d: {  	[sflag:s19] =	ssyncadd.s32 $0xFFFFC000  }
0x2e: {  	[spmem:s7] =	stream.linear.scatter [tilespmem:s18], [sflag:$0x3], $0x4000, $0x38;
	[tilespmem:$0x1D000] =	vst v63  }
0x2f: {  	_ =	swait.ge [sflag:s19], $0x4000  }
0x30: {  	[sflag:s19] =	ssyncset.done $0x0  }
0x31: {  	[sflag:s19] =	ssyncadd.s32 $0xFFFFC000  }
0x32: {  	[spmem:s8] =	stream.linear.scatter [tilespmem:s18], [sflag:$0x3], $0x4000, $0x38;
	[tilespmem:$0x1D000] =	vst v63  }
0x33: {  	_ =	swait.ge [sflag:s19], $0x4000  }
0x34: {  	[sflag:s19] =	ssyncset.done $0x0  }
0x35: {  	[sflag:s19] =	ssyncadd.s32 $0xFFFFC000  }
0x36: {  	[spmem:s9] =	stream.linear.scatter [tilespmem:s18], [sflag:$0x3], $0x4000, $0x38;
	[tilespmem:$0x1D000] =	vst v63  }
0x37: {  	_ =	swait.ge [sflag:s19], $0x4000  }
0x38: {  	[sflag:s19] =	ssyncset.done $0x0  }
0x39: {  	[sflag:s19] =	ssyncadd.s32 $0xFFFFC000  }
0x3a: {  	s29 =	simm.s32 $0x0;
	[bflag:$0x0] =	sbarrier.arrive $0xFFFF  }
0x3b: {  	[tilespmem:s29], [sflag:$0x3] =	stream.linear.gather [hbm4b:s10+s29], $0x2780, $0x38;
	[tilespmem:$0x1D000] =	vst v63  }
0x3c: {  	_ =	swait.ge [sflag:s19], $0x2780  }
0x3d: {  	[sflag:s19] =	ssyncset.done $0x0  }
0x3e: {  	[sflag:s19] =	ssyncadd.s32 $0xFFFFD880  }
0x3f: {  	[tilespmem:s20], [sflag:$0x3] =	stream.linear.gather [hbm4b:s11+s29], $0x2780, $0x38;
	[tilespmem:$0x1D000] =	vst v63  }
0x40: {  	_ =	swait.ge [sflag:s19], $0x2780  }
0x41: {  	[sflag:s19] =	ssyncset.done $0x0  }
0x42: {  	s30 =	simm.s32 $0x0;
	[sflag:s19] =	ssyncadd.s32 $0xFFFFD880  }
0x43: {  	[tilespmem:s18], [sflag:$0x1] =	stream.indirect.gather [hbm4b:s1+s21], $0x80, s30, s21, $0xb8;
	[tilespmem:$0x1D000] =	vst v63  }
0x44: {  	_ =	swait.ge [sflag:s22], $0x4000  }
0x45: {  	[sflag:s22] =	ssyncset.done $0x0  }
0x46: {  	s31 =	simm.s32 $0x2800;
	[sflag:s22] =	ssyncadd.s32 $0xFFFFC000  }
0x47: {  	[spmem:s3] =	stream.indirect.scatter.add.f32 [tilespmem:s18], [sflag:$0x2], $0x80, s31, s21, $0xb8;
	[tilespmem:$0x1D000] =	vst v63  }
0x48: {  	_ =	swait.ge [sflag:s23], $0x4000  }
0x49: {  	s24 =	simm.s32 $0x200;
	s25 =	simm.s32 $0x400;
	[sflag:s23] =	ssyncset.done $0x0  }
.LBB2_4:
0x4a: {  	s26 =	sshra.s32 s24, $0x2  }
0x4b: {  	[sflag:s23] =	ssyncadd.s32 $0xFFFFC000;
	s24 =	smov.u32 s25;
	s28 =	sadd.s32 $0x200, s25  }
0x4c: {  	[tilespmem:s18], [sflag:$0x1] =	stream.indirect.gather [hbm4b:s1+s21], $0x80, s26, s21, $0xb8;
	[tilespmem:$0x1D000] =	vst v63  }
0x4d: {  	p0 =	sne.s32 s25, $0x9C00;
	_ =	swait.ge [sflag:s22], $0x4000  }
.Ltmp1:
0x4e: {  	[sflag:s22] =	ssyncset.done $0x0;
	(pc) =	sbr.rel @p0 .LBB2_4-.Ltmp1, $4  }
0x4f: {  	s25 =	sadd.s32 $0x2800, s26;
	[sflag:s22] =	ssyncadd.s32 $0xFFFFC000  }
0x50: {  	[spmem:s3] =	stream.indirect.scatter.add.f32 [tilespmem:s18], [sflag:$0x2], $0x80, s25, s21, $0xb8;
	[tilespmem:$0x1D000] =	vst v63  }
0x51: {  	_ =	swait.ge [sflag:s23], $0x4000  }
0x52: {  	s25 =	smov.u32 s28;
	[sflag:s23] =	ssyncset.done $0x0  }
0x53: {  	s24 =	sshra.s32 s24, $0x2;
	[sflag:s23] =	ssyncadd.s32 $0xFFFFC000  }
0x54: {  	[tilespmem:s18], [sflag:$0x1] =	stream.indirect.gather [hbm4b:s1+s21], $0x80, s24, s21, $0xb8;
	[tilespmem:$0x1D000] =	vst v63  }
0x55: {  	_ =	swait.ge [sflag:s22], $0x4000  }
0x56: {  	[sflag:s22] =	ssyncset.done $0x0  }
0x57: {  	s24 =	sadd.s32 $0x2800, s24;
	[sflag:s22] =	ssyncadd.s32 $0xFFFFC000  }
0x58: {  	[spmem:s3] =	stream.indirect.scatter.add.f32 [tilespmem:s18], [sflag:$0x2], $0x80, s24, s21, $0xb8;
	[tilespmem:$0x1D000] =	vst v63  }
0x59: {  	_ =	swait.ge [sflag:s23], $0x4000  }
0x5a: {  	[sflag:s23] =	ssyncset.done $0x0  }
0x5b: {  	s26 =	sshll.u32 s0, $0x6;
	[sflag:s23] =	ssyncadd.s32 $0xFFFFC000  }
0x5c: {  	s25 =	sshrl.u32 s5, $0x3;
	s24 =	sor.u32 $0x1C03, s26;
	[bflag:$0x0] =	sbarrier.arrive $0xFFFF  }
0x5d: {  	[hbm:s12], [sflag:s24] =	dma.local [spmem:s25], $0x800  }
0x5e: {  	_ =	swait.ge [sflag:s19], $0x800  }
0x5f: {  	[sflag:s19] =	ssyncset.done $0x0  }
0x60: {  	s28 =	sshrl.u32 s6, $0x3;
	[sflag:s19] =	ssyncadd.s32 $0xFFFFF800  }
0x61: {  	[hbm:s13], [sflag:s24] =	dma.local [spmem:s28], $0x800  }
0x62: {  	_ =	swait.ge [sflag:s19], $0x800  }
0x63: {  	[sflag:s19] =	ssyncset.done $0x0  }
0x64: {  	s29 =	sshrl.u32 s7, $0x3;
	[sflag:s19] =	ssyncadd.s32 $0xFFFFF800  }
0x65: {  	[hbm:s14], [sflag:s24] =	dma.local [spmem:s29], $0x800  }
0x66: {  	_ =	swait.ge [sflag:s19], $0x800  }
0x67: {  	[sflag:s19] =	ssyncset.done $0x0  }
0x68: {  	s30 =	sshrl.u32 s8, $0x3;
	[sflag:s19] =	ssyncadd.s32 $0xFFFFF800  }
0x69: {  	[hbm:s15], [sflag:s24] =	dma.local [spmem:s30], $0x800  }
0x6a: {  	s4 =	sadd.s32 $0x1, s4;
	_ =	swait.ge [sflag:s19], $0x800  }
0x6b: {  	p0 =	sne.s32 s4, s17;
	[sflag:s19] =	ssyncset.done $0x0  }
.Ltmp2:
0x6c: {  	s31 =	sshrl.u32 s9, $0x3;
	[sflag:s19] =	ssyncadd.s32 $0xFFFFF800;
	(pc) =	sbr.rel @p0 .LBB2_1-.Ltmp2, $4  }
0x6d: {  	[hbm:s16], [sflag:s24] =	dma.local [spmem:s31], $0x800  }
0x6e: {  	_ =	swait.ge [sflag:s19], $0x800  }
0x6f: {  	[sflag:s19] =	ssyncset.done $0x0  }
0x70: {  	[sflag:s19] =	ssyncadd.s32 $0xFFFFF800  }
0x71: {  	_ =	sfence.sel $0x180000  }
0x72: {  	[bflag:$0x0] =	sbarrier.arrive $0xFFFF  }
0x73: {  	p0 =	sne.s32 s0, $0x0;
	_ =	strace $0x90000047  }
0x74: {  	s0 =	sadd.s32 @!p0 $0x100000, s2;
	[bflag:$0x2] =	sbarrier.arrive $0xFFFF  }
0x75: {  	[sflag:s0] =	ssyncadd.tile.s32 @!p0 $0x1;
	_ =	shalt  }
.Lfunc_end2:
_tile_overlayer_lowered:
.L_overlay_start_2:
0x76: {  	(tag) =	ssettag $0x2  }
0x77: {  	s0 =	rddreg [dreg:$0x0];
	s2 =	stileid.u32  }
0x78: {  	s1 =	rddreg [dreg:$0x1];
	p0 =	sne.s32 s2, $0x0  }
0x79: {  	s3 =	rddreg [dreg:$0x2];
	[bflag:$0x3] =	sbarrier.arrive $0xFFFF;
	s2 =	simm.s32 @!p0 $0x1C03  }
0x7a: {  	[timem:s3], [sflag:s2] =	dma.local @!p0 [hbm:s0], s1  }
0x7b: {  	s0 =	simm.s32 @!p0 $0x3  }
0x7c: {  	_ =	swait.ge @!p0 [sflag:s0], s1  }
0x7d: {  	s1 =	ssub.s32 @!p0 $0x0, s1;
	[sflag:s0] =	ssyncset.done @!p0 $0x0  }
0x7e: {  	[sflag:s0] =	ssyncadd.s32 @!p0 s1  }
0x7f: {  	[bflag:$0x3] =	sbarrier.arrive $0xFFFF  }
0x80: {  	_ =	shalt  }

</sc_bundles>
